<compile_context>
chip_gen: v7x
topology: tpu7x:2x2x1
jax: 0.10.2.dev20260603
libtpu: 0.0.44.dev20260713+nightly
codegen_flags: <defaults>
</compile_context>

<pallas_src>
import functools

import jax
import jax.numpy as jnp
from jax import lax
from jax.experimental import pallas as pl
from jax.experimental.pallas import tpu as pltpu
from jax.experimental.pallas import tpu_sc as plsc

VOCAB = 8192
D = 8192
BATCH = 4096

NC = 2
NS = 16
NW = NC * NS
B_PER_W = BATCH // NW
CHUNK = 2
NBUF = 3
N_CHUNKS = B_PER_W // CHUNK
N_MAIN = (N_CHUNKS // NBUF) * NBUF

_mesh = plsc.VectorSubcoreMesh(core_axis_name="c", subcore_axis_name="s")


@functools.partial(
    pl.kernel,
    mesh=_mesh,
    out_type=jax.ShapeDtypeStruct((BATCH, D), jnp.float32),
    scratch_types=[
        pltpu.VMEM((N_CHUNKS, CHUNK), jnp.int32),
        pltpu.VMEM((CHUNK, D), jnp.float32),
        pltpu.VMEM((CHUNK, D), jnp.float32),
        pltpu.VMEM((CHUNK, D), jnp.float32),
        pltpu.SemaphoreType.DMA,
        pltpu.SemaphoreType.DMA,
        pltpu.SemaphoreType.DMA,
        pltpu.SemaphoreType.DMA,
        pltpu.SemaphoreType.DMA,
        pltpu.SemaphoreType.DMA,
    ],
)
def _gather_rows(x_hbm, table_hbm, out_hbm, idx_v, buf0, buf1, buf2,
                 g0, g1, g2, w0, w1, w2):
    wid = lax.axis_index("s") * NC + lax.axis_index("c")
    row0 = wid * B_PER_W
    bufs = (buf0, buf1, buf2)
    gsems = (g0, g1, g2)
    wsems = (w0, w1, w2)

    pltpu.sync_copy(x_hbm.at[wid], idx_v)

    def start_gather(c, b):
        pltpu.make_async_copy(table_hbm.at[idx_v.at[c]], bufs[b], gsems[b]).start()

    def wait_gather(b):
        pltpu.make_async_copy(table_hbm.at[idx_v.at[0]], bufs[b], gsems[b]).wait()

    def start_write(c, b):
        pltpu.make_async_copy(
            bufs[b], out_hbm.at[pl.ds(row0 + c * CHUNK, CHUNK)], wsems[b]).start()

    def wait_write(b):
        pltpu.make_async_copy(
            bufs[b], out_hbm.at[pl.ds(row0, CHUNK)], wsems[b]).wait()

    def emit(c, b):
        bp = (b + NBUF - 1) % NBUF
        wait_gather(b)
        start_write(c, b)
        if isinstance(c, int):
            if c > 0:
                wait_write(bp)
            if c + NBUF - 1 < N_CHUNKS:
                start_gather(c + NBUF - 1, bp)
        else:
            @pl.when(c > 0)
            def _retire():
                wait_write(bp)

            @pl.when(c + NBUF - 1 < N_CHUNKS)
            def _prefetch():
                start_gather(c + NBUF - 1, bp)

    for b in range(NBUF - 1):
        start_gather(b, b)

    def outer(g, carry):
        for b in range(NBUF):
            emit(g * NBUF + b, b)
        return carry

    lax.fori_loop(0, N_MAIN // NBUF, outer, 0)
    for c in range(N_MAIN, N_CHUNKS):
        emit(c, c % NBUF)
    wait_write((N_CHUNKS - 1) % NBUF)


def kernel(x, probs):
    x_chunked = x.astype(jnp.int32).reshape(NW, N_CHUNKS, CHUNK)
    return _gather_rows(x_chunked, probs)

# --- scband reference (transcript-rebuilt; emitter-appended) ---
"""Pipeline reference for scband-bigram-68848325755495 (READ-ONLY COPY).

The authoritative reference and input builder live on the scoring server;
editing this copy changes nothing except your own understanding.
"""

import jax, jax.numpy as jnp
import numpy as np

VOCAB = 8192
BATCH = 4096

def setup_inputs(seed: int = 0) -> dict:
    key = jax.random.key(seed)
    k1, k2 = jax.random.split(key)
    x = jax.random.randint(k1, (BATCH,), 0, VOCAB, dtype=jnp.int64) if jax.config.read('jax_enable_x64') else jax.random.randint(k1, (BATCH,), 0, VOCAB, dtype=jnp.int32)
    probs = jax.random.normal(k2, (VOCAB, VOCAB), dtype=jnp.float32)
    return {"x": x, "probs": probs}

def reference(x, probs):
    # logits = self.probs[x] : pure row gather from the bigram table
    logits = jnp.take(probs, x, axis=0)
    return logits

if __name__ == "__main__":
    import jax
    _d = setup_inputs()
    print(jax.jit(kernel)(*tuple(_d.values())))

</pallas_src>

<mosaic_0001>
#map = affine_map<(d0, d1) -> (0, 0, 0)>
#map1 = affine_map<(d0, d1) -> (0, 0)>
module attributes {stable_mosaic.version = 14 : i64} {
  func.func @_gather_rows(%arg0: i32, %arg1: i32, %arg2: memref<32x64x2xi32, #tpu.memory_space<hbm>>, %arg3: memref<8192x8192xf32, #tpu.memory_space<hbm>>, %arg4: memref<4096x8192xf32, #tpu.memory_space<hbm>>, %arg5: memref<64x2xi32, #tpu.memory_space<vmem>>, %arg6: memref<2x8192xf32, #tpu.memory_space<vmem>>, %arg7: memref<2x8192xf32, #tpu.memory_space<vmem>>, %arg8: memref<2x8192xf32, #tpu.memory_space<vmem>>, %arg9: memref<!tpu.dma_semaphore, #tpu.memory_space<semaphore_mem>>, %arg10: memref<!tpu.dma_semaphore, #tpu.memory_space<semaphore_mem>>, %arg11: memref<!tpu.dma_semaphore, #tpu.memory_space<semaphore_mem>>, %arg12: memref<!tpu.dma_semaphore, #tpu.memory_space<semaphore_mem>>, %arg13: memref<!tpu.dma_semaphore, #tpu.memory_space<semaphore_mem>>, %arg14: memref<!tpu.dma_semaphore, #tpu.memory_space<semaphore_mem>>) attributes {dimension_semantics = [#tpu.dimension_semantics<core_parallel>, #tpu.dimension_semantics<subcore_parallel>], iteration_bounds = array<i64: 2, 16>, scalar_prefetch = 0 : i64, scratch_operands = 10 : i64, tpu.core_type = #tpu.core_type<sc_vector_subcore>, window_params = [{transform_indices = #map}, {transform_indices = #map1}, {transform_indices = #map1}]} {
    %mul3A = arith.constant 2 : i32
    %mul3A_0 = arith.muli %arg1, %mul3A : i32
    %add3A = arith.addi %mul3A_0, %arg0 : i32
    %mul3A_1 = arith.constant 128 : i32
    %mul3A_2 = arith.muli %add3A, %mul3A_1 : i32
    "tpu.region"() ({
      %run_scoped3A = tpu.sem_alloc : memref<!tpu.dma_semaphore, #tpu.memory_space<semaphore_mem>>
      %dma_start3A_41 = arith.constant 0 : i32
      %dma_start3A_42 = arith.constant 0 : i32
      %dma_start3A_43 = tpu.memref_slice %arg2[%add3A, %dma_start3A_41, %dma_start3A_42] : memref<32x64x2xi32, #tpu.memory_space<hbm>> -> memref<1x64x2xi32, #tpu.memory_space<hbm>>
      %dma_start3A_44 = tpu.memref_squeeze %dma_start3A_43 : memref<1x64x2xi32, #tpu.memory_space<hbm>> -> memref<64x2xi32, #tpu.memory_space<hbm>>
      %dma_start3A_45 = arith.constant 0 : i32
      %dma_start3A_46 = arith.constant 0 : i32
      %dma_start3A_47 = tpu.memref_slice %arg2[%add3A, %dma_start3A_45, %dma_start3A_46] : memref<32x64x2xi32, #tpu.memory_space<hbm>> -> memref<1x64x2xi32, #tpu.memory_space<hbm>>
      %dma_start3A_48 = tpu.memref_squeeze %dma_start3A_47 : memref<1x64x2xi32, #tpu.memory_space<hbm>> -> memref<64x2xi32, #tpu.memory_space<hbm>>
      tpu.enqueue_dma source(%dma_start3A_48 : memref<64x2xi32, #tpu.memory_space<hbm>>) target(%arg5 : memref<64x2xi32, #tpu.memory_space<vmem>>) target_semaphore(%run_scoped3A : memref<!tpu.dma_semaphore, #tpu.memory_space<semaphore_mem>>)
      %dma_wait3A_49 = arith.constant 0 : i32
      %dma_wait3A_50 = arith.constant 0 : i32
      %dma_wait3A_51 = tpu.memref_slice %arg2[%add3A, %dma_wait3A_49, %dma_wait3A_50] : memref<32x64x2xi32, #tpu.memory_space<hbm>> -> memref<1x64x2xi32, #tpu.memory_space<hbm>>
      %dma_wait3A_52 = tpu.memref_squeeze %dma_wait3A_51 : memref<1x64x2xi32, #tpu.memory_space<hbm>> -> memref<64x2xi32, #tpu.memory_space<hbm>>
      %dma_wait3A_53 = arith.constant 0 : i32
      %dma_wait3A_54 = arith.constant 0 : i32
      %dma_wait3A_55 = tpu.memref_slice %arg2[%add3A, %dma_wait3A_53, %dma_wait3A_54] : memref<32x64x2xi32, #tpu.memory_space<hbm>> -> memref<1x64x2xi32, #tpu.memory_space<hbm>>
      %dma_wait3A_56 = tpu.memref_squeeze %dma_wait3A_55 : memref<1x64x2xi32, #tpu.memory_space<hbm>> -> memref<64x2xi32, #tpu.memory_space<hbm>>
      tpu.wait_dma2 semaphore(%run_scoped3A : memref<!tpu.dma_semaphore, #tpu.memory_space<semaphore_mem>>) src(%dma_wait3A_56 : memref<64x2xi32, #tpu.memory_space<hbm>>) dst(%arg5 : memref<64x2xi32, #tpu.memory_space<vmem>>)
      tpu.yield
    }) : () -> ()
    %dma_start3A = arith.constant 0 : i32
    %dma_start3A_3 = arith.constant 0 : i32
    %dma_start3A_4 = tpu.memref_slice %arg5[%dma_start3A, %dma_start3A_3] : memref<64x2xi32, #tpu.memory_space<vmem>> -> memref<1x2xi32, #tpu.memory_space<vmem>>
    %dma_start3A_5 = tpu.memref_squeeze %dma_start3A_4 : memref<1x2xi32, #tpu.memory_space<vmem>> -> memref<2xi32, #tpu.memory_space<vmem>>
    %dma_start3A_6 = arith.constant 0 : i32
    %dma_start3A_7 = arith.constant 0 : i32
    %dma_start3A_8 = tpu.memref_slice %arg3[%dma_start3A_6, %dma_start3A_7] : memref<8192x8192xf32, #tpu.memory_space<hbm>> -> memref<8192x8192xf32, #tpu.memory_space<hbm>>
    tpu.enqueue_indirect_dma source(%dma_start3A_8 : memref<8192x8192xf32, #tpu.memory_space<hbm>>) target(%arg6 : memref<2x8192xf32, #tpu.memory_space<vmem>>) offsets(%dma_start3A_5 : memref<2xi32, #tpu.memory_space<vmem>>) semaphore(%arg9 : memref<!tpu.dma_semaphore, #tpu.memory_space<semaphore_mem>>)
    %dma_start3A_9 = arith.constant 1 : i32
    %dma_start3A_10 = arith.constant 0 : i32
    %dma_start3A_11 = tpu.memref_slice %arg5[%dma_start3A_9, %dma_start3A_10] : memref<64x2xi32, #tpu.memory_space<vmem>> -> memref<1x2xi32, #tpu.memory_space<vmem>>
    %dma_start3A_12 = tpu.memref_squeeze %dma_start3A_11 : memref<1x2xi32, #tpu.memory_space<vmem>> -> memref<2xi32, #tpu.memory_space<vmem>>
    %dma_start3A_13 = arith.constant 0 : i32
    %dma_start3A_14 = arith.constant 0 : i32
    %dma_start3A_15 = tpu.memref_slice %arg3[%dma_start3A_13, %dma_start3A_14] : memref<8192x8192xf32, #tpu.memory_space<hbm>> -> memref<8192x8192xf32, #tpu.memory_space<hbm>>
    tpu.enqueue_indirect_dma source(%dma_start3A_15 : memref<8192x8192xf32, #tpu.memory_space<hbm>>) target(%arg7 : memref<2x8192xf32, #tpu.memory_space<vmem>>) offsets(%dma_start3A_12 : memref<2xi32, #tpu.memory_space<vmem>>) semaphore(%arg10 : memref<!tpu.dma_semaphore, #tpu.memory_space<semaphore_mem>>)
    %scan3A = arith.constant 0 : i32
    %scan3A_16 = arith.constant 0 : i32
    %scan3A_17 = arith.constant 21 : i32
    %scan3A_18 = arith.addi %scan3A_16, %scan3A_17 : i32
    %scan3A_19 = arith.constant 1 : i32
    scf.for %scan3A_41 = %scan3A_16 to %scan3A_18 step %scan3A_19  : i32 {
      %mul3A_42 = arith.constant 3 : i32
      %mul3A_43 = arith.muli %scan3A_41, %mul3A_42 : i32
      %add3A_44 = arith.constant 0 : i32
      %add3A_45 = arith.addi %mul3A_43, %add3A_44 : i32
      %dma_wait3A_46 = arith.constant 0 : i32
      %dma_wait3A_47 = arith.constant 0 : i32
      %dma_wait3A_48 = tpu.memref_slice %arg5[%dma_wait3A_46, %dma_wait3A_47] : memref<64x2xi32, #tpu.memory_space<vmem>> -> memref<1x2xi32, #tpu.memory_space<vmem>>
      %dma_wait3A_49 = tpu.memref_squeeze %dma_wait3A_48 : memref<1x2xi32, #tpu.memory_space<vmem>> -> memref<2xi32, #tpu.memory_space<vmem>>
      %dma_wait3A_50 = arith.constant 0 : i32
      %dma_wait3A_51 = arith.constant 0 : i32
      %dma_wait3A_52 = tpu.memref_slice %arg3[%dma_wait3A_50, %dma_wait3A_51] : memref<8192x8192xf32, #tpu.memory_space<hbm>> -> memref<8192x8192xf32, #tpu.memory_space<hbm>>
      tpu.wait_indirect_dma semaphore(%arg9 : memref<!tpu.dma_semaphore, #tpu.memory_space<semaphore_mem>>) src(%dma_wait3A_52 : memref<8192x8192xf32, #tpu.memory_space<hbm>>) dst(%arg6 : memref<2x8192xf32, #tpu.memory_space<vmem>>)
      %mul3A_53 = arith.constant 2 : i32
      %mul3A_54 = arith.muli %add3A_45, %mul3A_53 : i32
      %add3A_55 = arith.addi %mul3A_2, %mul3A_54 : i32
      %dma_start3A_56 = arith.constant 0 : i32
      %dma_start3A_57 = tpu.memref_slice %arg4[%add3A_55, %dma_start3A_56] : memref<4096x8192xf32, #tpu.memory_space<hbm>> -> memref<2x8192xf32, #tpu.memory_space<hbm>>
      %dma_start3A_58 = arith.constant 0 : i32
      %dma_start3A_59 = tpu.memref_slice %arg4[%add3A_55, %dma_start3A_58] : memref<4096x8192xf32, #tpu.memory_space<hbm>> -> memref<2x8192xf32, #tpu.memory_space<hbm>>
      tpu.enqueue_dma source(%arg6 : memref<2x8192xf32, #tpu.memory_space<vmem>>) target(%dma_start3A_59 : memref<2x8192xf32, #tpu.memory_space<hbm>>) target_semaphore(%arg12 : memref<!tpu.dma_semaphore, #tpu.memory_space<semaphore_mem>>)
      %gt3A = arith.constant 0 : i32
      %gt3A_60 = arith.cmpi sgt, %add3A_45, %gt3A : i32
      %convert_element_type3A = arith.extui %gt3A_60 : i1 to i32
      %cond3A = arith.constant 0 : i32
      %cond3A_61 = arith.cmpi ne, %convert_element_type3A, %cond3A : i32
      scf.if %cond3A_61 {
        %dma_wait3A_133 = arith.constant 0 : i32
        %dma_wait3A_134 = tpu.memref_slice %arg4[%mul3A_2, %dma_wait3A_133] : memref<4096x8192xf32, #tpu.memory_space<hbm>> -> memref<2x8192xf32, #tpu.memory_space<hbm>>
        %dma_wait3A_135 = arith.constant 0 : i32
        %dma_wait3A_136 = tpu.memref_slice %arg4[%mul3A_2, %dma_wait3A_135] : memref<4096x8192xf32, #tpu.memory_space<hbm>> -> memref<2x8192xf32, #tpu.memory_space<hbm>>
        tpu.wait_dma2 semaphore(%arg14 : memref<!tpu.dma_semaphore, #tpu.memory_space<semaphore_mem>>) src(%arg8 : memref<2x8192xf32, #tpu.memory_space<vmem>>) dst(%dma_wait3A_136 : memref<2x8192xf32, #tpu.memory_space<hbm>>)
      } else {
      }
      %add3A_62 = arith.constant 3 : i32
      %add3A_63 = arith.addi %add3A_45, %add3A_62 : i32
      %sub3A = arith.constant 1 : i32
      %sub3A_64 = arith.subi %add3A_63, %sub3A : i32
      %lt3A = arith.constant 64 : i32
      %lt3A_65 = arith.cmpi slt, %sub3A_64, %lt3A : i32
      %convert_element_type3A_66 = arith.extui %lt3A_65 : i1 to i32
      %cond3A_67 = arith.constant 0 : i32
      %cond3A_68 = arith.cmpi ne, %convert_element_type3A_66, %cond3A_67 : i32
      scf.if %cond3A_68 {
        %add3A_133 = arith.constant 3 : i32
        %add3A_134 = arith.addi %add3A_45, %add3A_133 : i32
        %sub3A_135 = arith.constant 1 : i32
        %sub3A_136 = arith.subi %add3A_134, %sub3A_135 : i32
        %dma_start3A_137 = arith.constant 0 : i32
        %dma_start3A_138 = tpu.memref_slice %arg5[%sub3A_136, %dma_start3A_137] : memref<64x2xi32, #tpu.memory_space<vmem>> -> memref<1x2xi32, #tpu.memory_space<vmem>>
        %dma_start3A_139 = tpu.memref_squeeze %dma_start3A_138 : memref<1x2xi32, #tpu.memory_space<vmem>> -> memref<2xi32, #tpu.memory_space<vmem>>
        %dma_start3A_140 = arith.constant 0 : i32
        %dma_start3A_141 = arith.constant 0 : i32
        %dma_start3A_142 = tpu.memref_slice %arg3[%dma_start3A_140, %dma_start3A_141] : memref<8192x8192xf32, #tpu.memory_space<hbm>> -> memref<8192x8192xf32, #tpu.memory_space<hbm>>
        tpu.enqueue_indirect_dma source(%dma_start3A_142 : memref<8192x8192xf32, #tpu.memory_space<hbm>>) target(%arg8 : memref<2x8192xf32, #tpu.memory_space<vmem>>) offsets(%dma_start3A_139 : memref<2xi32, #tpu.memory_space<vmem>>) semaphore(%arg11 : memref<!tpu.dma_semaphore, #tpu.memory_space<semaphore_mem>>)
      } else {
      }
      %mul3A_69 = arith.constant 3 : i32
      %mul3A_70 = arith.muli %scan3A_41, %mul3A_69 : i32
      %add3A_71 = arith.constant 1 : i32
      %add3A_72 = arith.addi %mul3A_70, %add3A_71 : i32
      %dma_wait3A_73 = arith.constant 0 : i32
      %dma_wait3A_74 = arith.constant 0 : i32
      %dma_wait3A_75 = tpu.memref_slice %arg5[%dma_wait3A_73, %dma_wait3A_74] : memref<64x2xi32, #tpu.memory_space<vmem>> -> memref<1x2xi32, #tpu.memory_space<vmem>>
      %dma_wait3A_76 = tpu.memref_squeeze %dma_wait3A_75 : memref<1x2xi32, #tpu.memory_space<vmem>> -> memref<2xi32, #tpu.memory_space<vmem>>
      %dma_wait3A_77 = arith.constant 0 : i32
      %dma_wait3A_78 = arith.constant 0 : i32
      %dma_wait3A_79 = tpu.memref_slice %arg3[%dma_wait3A_77, %dma_wait3A_78] : memref<8192x8192xf32, #tpu.memory_space<hbm>> -> memref<8192x8192xf32, #tpu.memory_space<hbm>>
      tpu.wait_indirect_dma semaphore(%arg10 : memref<!tpu.dma_semaphore, #tpu.memory_space<semaphore_mem>>) src(%dma_wait3A_79 : memref<8192x8192xf32, #tpu.memory_space<hbm>>) dst(%arg7 : memref<2x8192xf32, #tpu.memory_space<vmem>>)
      %mul3A_80 = arith.constant 2 : i32
      %mul3A_81 = arith.muli %add3A_72, %mul3A_80 : i32
      %add3A_82 = arith.addi %mul3A_2, %mul3A_81 : i32
      %dma_start3A_83 = arith.constant 0 : i32
      %dma_start3A_84 = tpu.memref_slice %arg4[%add3A_82, %dma_start3A_83] : memref<4096x8192xf32, #tpu.memory_space<hbm>> -> memref<2x8192xf32, #tpu.memory_space<hbm>>
      %dma_start3A_85 = arith.constant 0 : i32
      %dma_start3A_86 = tpu.memref_slice %arg4[%add3A_82, %dma_start3A_85] : memref<4096x8192xf32, #tpu.memory_space<hbm>> -> memref<2x8192xf32, #tpu.memory_space<hbm>>
      tpu.enqueue_dma source(%arg7 : memref<2x8192xf32, #tpu.memory_space<vmem>>) target(%dma_start3A_86 : memref<2x8192xf32, #tpu.memory_space<hbm>>) target_semaphore(%arg13 : memref<!tpu.dma_semaphore, #tpu.memory_space<semaphore_mem>>)
      %gt3A_87 = arith.constant 0 : i32
      %gt3A_88 = arith.cmpi sgt, %add3A_72, %gt3A_87 : i32
      %convert_element_type3A_89 = arith.extui %gt3A_88 : i1 to i32
      %cond3A_90 = arith.constant 0 : i32
      %cond3A_91 = arith.cmpi ne, %convert_element_type3A_89, %cond3A_90 : i32
      scf.if %cond3A_91 {
        %dma_wait3A_133 = arith.constant 0 : i32
        %dma_wait3A_134 = tpu.memref_slice %arg4[%mul3A_2, %dma_wait3A_133] : memref<4096x8192xf32, #tpu.memory_space<hbm>> -> memref<2x8192xf32, #tpu.memory_space<hbm>>
        %dma_wait3A_135 = arith.constant 0 : i32
        %dma_wait3A_136 = tpu.memref_slice %arg4[%mul3A_2, %dma_wait3A_135] : memref<4096x8192xf32, #tpu.memory_space<hbm>> -> memref<2x8192xf32, #tpu.memory_space<hbm>>
        tpu.wait_dma2 semaphore(%arg12 : memref<!tpu.dma_semaphore, #tpu.memory_space<semaphore_mem>>) src(%arg6 : memref<2x8192xf32, #tpu.memory_space<vmem>>) dst(%dma_wait3A_136 : memref<2x8192xf32, #tpu.memory_space<hbm>>)
      } else {
      }
      %add3A_92 = arith.constant 3 : i32
      %add3A_93 = arith.addi %add3A_72, %add3A_92 : i32
      %sub3A_94 = arith.constant 1 : i32
      %sub3A_95 = arith.subi %add3A_93, %sub3A_94 : i32
      %lt3A_96 = arith.constant 64 : i32
      %lt3A_97 = arith.cmpi slt, %sub3A_95, %lt3A_96 : i32
      %convert_element_type3A_98 = arith.extui %lt3A_97 : i1 to i32
      %cond3A_99 = arith.constant 0 : i32
      %cond3A_100 = arith.cmpi ne, %convert_element_type3A_98, %cond3A_99 : i32
      scf.if %cond3A_100 {
        %add3A_133 = arith.constant 3 : i32
        %add3A_134 = arith.addi %add3A_72, %add3A_133 : i32
        %sub3A_135 = arith.constant 1 : i32
        %sub3A_136 = arith.subi %add3A_134, %sub3A_135 : i32
        %dma_start3A_137 = arith.constant 0 : i32
        %dma_start3A_138 = tpu.memref_slice %arg5[%sub3A_136, %dma_start3A_137] : memref<64x2xi32, #tpu.memory_space<vmem>> -> memref<1x2xi32, #tpu.memory_space<vmem>>
        %dma_start3A_139 = tpu.memref_squeeze %dma_start3A_138 : memref<1x2xi32, #tpu.memory_space<vmem>> -> memref<2xi32, #tpu.memory_space<vmem>>
        %dma_start3A_140 = arith.constant 0 : i32
        %dma_start3A_141 = arith.constant 0 : i32
        %dma_start3A_142 = tpu.memref_slice %arg3[%dma_start3A_140, %dma_start3A_141] : memref<8192x8192xf32, #tpu.memory_space<hbm>> -> memref<8192x8192xf32, #tpu.memory_space<hbm>>
        tpu.enqueue_indirect_dma source(%dma_start3A_142 : memref<8192x8192xf32, #tpu.memory_space<hbm>>) target(%arg6 : memref<2x8192xf32, #tpu.memory_space<vmem>>) offsets(%dma_start3A_139 : memref<2xi32, #tpu.memory_space<vmem>>) semaphore(%arg9 : memref<!tpu.dma_semaphore, #tpu.memory_space<semaphore_mem>>)
      } else {
      }
      %mul3A_101 = arith.constant 3 : i32
      %mul3A_102 = arith.muli %scan3A_41, %mul3A_101 : i32
      %add3A_103 = arith.constant 2 : i32
      %add3A_104 = arith.addi %mul3A_102, %add3A_103 : i32
      %dma_wait3A_105 = arith.constant 0 : i32
      %dma_wait3A_106 = arith.constant 0 : i32
      %dma_wait3A_107 = tpu.memref_slice %arg5[%dma_wait3A_105, %dma_wait3A_106] : memref<64x2xi32, #tpu.memory_space<vmem>> -> memref<1x2xi32, #tpu.memory_space<vmem>>
      %dma_wait3A_108 = tpu.memref_squeeze %dma_wait3A_107 : memref<1x2xi32, #tpu.memory_space<vmem>> -> memref<2xi32, #tpu.memory_space<vmem>>
      %dma_wait3A_109 = arith.constant 0 : i32
      %dma_wait3A_110 = arith.constant 0 : i32
      %dma_wait3A_111 = tpu.memref_slice %arg3[%dma_wait3A_109, %dma_wait3A_110] : memref<8192x8192xf32, #tpu.memory_space<hbm>> -> memref<8192x8192xf32, #tpu.memory_space<hbm>>
      tpu.wait_indirect_dma semaphore(%arg11 : memref<!tpu.dma_semaphore, #tpu.memory_space<semaphore_mem>>) src(%dma_wait3A_111 : memref<8192x8192xf32, #tpu.memory_space<hbm>>) dst(%arg8 : memref<2x8192xf32, #tpu.memory_space<vmem>>)
      %mul3A_112 = arith.constant 2 : i32
      %mul3A_113 = arith.muli %add3A_104, %mul3A_112 : i32
      %add3A_114 = arith.addi %mul3A_2, %mul3A_113 : i32
      %dma_start3A_115 = arith.constant 0 : i32
      %dma_start3A_116 = tpu.memref_slice %arg4[%add3A_114, %dma_start3A_115] : memref<4096x8192xf32, #tpu.memory_space<hbm>> -> memref<2x8192xf32, #tpu.memory_space<hbm>>
      %dma_start3A_117 = arith.constant 0 : i32
      %dma_start3A_118 = tpu.memref_slice %arg4[%add3A_114, %dma_start3A_117] : memref<4096x8192xf32, #tpu.memory_space<hbm>> -> memref<2x8192xf32, #tpu.memory_space<hbm>>
      tpu.enqueue_dma source(%arg8 : memref<2x8192xf32, #tpu.memory_space<vmem>>) target(%dma_start3A_118 : memref<2x8192xf32, #tpu.memory_space<hbm>>) target_semaphore(%arg14 : memref<!tpu.dma_semaphore, #tpu.memory_space<semaphore_mem>>)
      %gt3A_119 = arith.constant 0 : i32
      %gt3A_120 = arith.cmpi sgt, %add3A_104, %gt3A_119 : i32
      %convert_element_type3A_121 = arith.extui %gt3A_120 : i1 to i32
      %cond3A_122 = arith.constant 0 : i32
      %cond3A_123 = arith.cmpi ne, %convert_element_type3A_121, %cond3A_122 : i32
      scf.if %cond3A_123 {
        %dma_wait3A_133 = arith.constant 0 : i32
        %dma_wait3A_134 = tpu.memref_slice %arg4[%mul3A_2, %dma_wait3A_133] : memref<4096x8192xf32, #tpu.memory_space<hbm>> -> memref<2x8192xf32, #tpu.memory_space<hbm>>
        %dma_wait3A_135 = arith.constant 0 : i32
        %dma_wait3A_136 = tpu.memref_slice %arg4[%mul3A_2, %dma_wait3A_135] : memref<4096x8192xf32, #tpu.memory_space<hbm>> -> memref<2x8192xf32, #tpu.memory_space<hbm>>
        tpu.wait_dma2 semaphore(%arg13 : memref<!tpu.dma_semaphore, #tpu.memory_space<semaphore_mem>>) src(%arg7 : memref<2x8192xf32, #tpu.memory_space<vmem>>) dst(%dma_wait3A_136 : memref<2x8192xf32, #tpu.memory_space<hbm>>)
      } else {
      }
      %add3A_124 = arith.constant 3 : i32
      %add3A_125 = arith.addi %add3A_104, %add3A_124 : i32
      %sub3A_126 = arith.constant 1 : i32
      %sub3A_127 = arith.subi %add3A_125, %sub3A_126 : i32
      %lt3A_128 = arith.constant 64 : i32
      %lt3A_129 = arith.cmpi slt, %sub3A_127, %lt3A_128 : i32
      %convert_element_type3A_130 = arith.extui %lt3A_129 : i1 to i32
      %cond3A_131 = arith.constant 0 : i32
      %cond3A_132 = arith.cmpi ne, %convert_element_type3A_130, %cond3A_131 : i32
      scf.if %cond3A_132 {
        %add3A_133 = arith.constant 3 : i32
        %add3A_134 = arith.addi %add3A_104, %add3A_133 : i32
        %sub3A_135 = arith.constant 1 : i32
        %sub3A_136 = arith.subi %add3A_134, %sub3A_135 : i32
        %dma_start3A_137 = arith.constant 0 : i32
        %dma_start3A_138 = tpu.memref_slice %arg5[%sub3A_136, %dma_start3A_137] : memref<64x2xi32, #tpu.memory_space<vmem>> -> memref<1x2xi32, #tpu.memory_space<vmem>>
        %dma_start3A_139 = tpu.memref_squeeze %dma_start3A_138 : memref<1x2xi32, #tpu.memory_space<vmem>> -> memref<2xi32, #tpu.memory_space<vmem>>
        %dma_start3A_140 = arith.constant 0 : i32
        %dma_start3A_141 = arith.constant 0 : i32
        %dma_start3A_142 = tpu.memref_slice %arg3[%dma_start3A_140, %dma_start3A_141] : memref<8192x8192xf32, #tpu.memory_space<hbm>> -> memref<8192x8192xf32, #tpu.memory_space<hbm>>
        tpu.enqueue_indirect_dma source(%dma_start3A_142 : memref<8192x8192xf32, #tpu.memory_space<hbm>>) target(%arg7 : memref<2x8192xf32, #tpu.memory_space<vmem>>) offsets(%dma_start3A_139 : memref<2xi32, #tpu.memory_space<vmem>>) semaphore(%arg10 : memref<!tpu.dma_semaphore, #tpu.memory_space<semaphore_mem>>)
      } else {
      }
    }
    %scan3A_20 = arith.constant 21 : i32
    %dma_wait3A = arith.constant 0 : i32
    %dma_wait3A_21 = arith.constant 0 : i32
    %dma_wait3A_22 = tpu.memref_slice %arg5[%dma_wait3A, %dma_wait3A_21] : memref<64x2xi32, #tpu.memory_space<vmem>> -> memref<1x2xi32, #tpu.memory_space<vmem>>
    %dma_wait3A_23 = tpu.memref_squeeze %dma_wait3A_22 : memref<1x2xi32, #tpu.memory_space<vmem>> -> memref<2xi32, #tpu.memory_space<vmem>>
    %dma_wait3A_24 = arith.constant 0 : i32
    %dma_wait3A_25 = arith.constant 0 : i32
    %dma_wait3A_26 = tpu.memref_slice %arg3[%dma_wait3A_24, %dma_wait3A_25] : memref<8192x8192xf32, #tpu.memory_space<hbm>> -> memref<8192x8192xf32, #tpu.memory_space<hbm>>
    tpu.wait_indirect_dma semaphore(%arg9 : memref<!tpu.dma_semaphore, #tpu.memory_space<semaphore_mem>>) src(%dma_wait3A_26 : memref<8192x8192xf32, #tpu.memory_space<hbm>>) dst(%arg6 : memref<2x8192xf32, #tpu.memory_space<vmem>>)
    %add3A_27 = arith.constant 126 : i32
    %add3A_28 = arith.addi %mul3A_2, %add3A_27 : i32
    %dma_start3A_29 = arith.constant 0 : i32
    %dma_start3A_30 = tpu.memref_slice %arg4[%add3A_28, %dma_start3A_29] : memref<4096x8192xf32, #tpu.memory_space<hbm>> -> memref<2x8192xf32, #tpu.memory_space<hbm>>
    %dma_start3A_31 = arith.constant 0 : i32
    %dma_start3A_32 = tpu.memref_slice %arg4[%add3A_28, %dma_start3A_31] : memref<4096x8192xf32, #tpu.memory_space<hbm>> -> memref<2x8192xf32, #tpu.memory_space<hbm>>
    tpu.enqueue_dma source(%arg6 : memref<2x8192xf32, #tpu.memory_space<vmem>>) target(%dma_start3A_32 : memref<2x8192xf32, #tpu.memory_space<hbm>>) target_semaphore(%arg12 : memref<!tpu.dma_semaphore, #tpu.memory_space<semaphore_mem>>)
    %dma_wait3A_33 = arith.constant 0 : i32
    %dma_wait3A_34 = tpu.memref_slice %arg4[%mul3A_2, %dma_wait3A_33] : memref<4096x8192xf32, #tpu.memory_space<hbm>> -> memref<2x8192xf32, #tpu.memory_space<hbm>>
    %dma_wait3A_35 = arith.constant 0 : i32
    %dma_wait3A_36 = tpu.memref_slice %arg4[%mul3A_2, %dma_wait3A_35] : memref<4096x8192xf32, #tpu.memory_space<hbm>> -> memref<2x8192xf32, #tpu.memory_space<hbm>>
    tpu.wait_dma2 semaphore(%arg14 : memref<!tpu.dma_semaphore, #tpu.memory_space<semaphore_mem>>) src(%arg8 : memref<2x8192xf32, #tpu.memory_space<vmem>>) dst(%dma_wait3A_36 : memref<2x8192xf32, #tpu.memory_space<hbm>>)
    %dma_wait3A_37 = arith.constant 0 : i32
    %dma_wait3A_38 = tpu.memref_slice %arg4[%mul3A_2, %dma_wait3A_37] : memref<4096x8192xf32, #tpu.memory_space<hbm>> -> memref<2x8192xf32, #tpu.memory_space<hbm>>
    %dma_wait3A_39 = arith.constant 0 : i32
    %dma_wait3A_40 = tpu.memref_slice %arg4[%mul3A_2, %dma_wait3A_39] : memref<4096x8192xf32, #tpu.memory_space<hbm>> -> memref<2x8192xf32, #tpu.memory_space<hbm>>
    tpu.wait_dma2 semaphore(%arg12 : memref<!tpu.dma_semaphore, #tpu.memory_space<semaphore_mem>>) src(%arg6 : memref<2x8192xf32, #tpu.memory_space<vmem>>) dst(%dma_wait3A_40 : memref<2x8192xf32, #tpu.memory_space<hbm>>)
    return
  }
}

</mosaic_0001>

<sc_bundles>
// kernel: kernel.3.cloned.1.call-start
scs
__scs_entry_jumppad:
0x0: {  	(pc) =	sbr.rel $0x88, $3  }
0x1: {  	(tag) =	ssettag $0x0;
	lr =	simm.s32 $0x1  }
0x2: {  	[smem:$0x3F9F] =	sst lr;
	_ =	strace $0xD0000000  }
0x3: {  	_ = 	snop  }
0x4: {  	_ = 	snop  }
0x5: {  	_ = 	snop  }
0x6: {  	_ = 	snop  }
0x7: {  	_ = 	snop  }
__scs_overlays_trampoline_lowered:
0x8: {  	[smem:$0x3FAE] =	sst s0  }
0x9: {  	[smem:$0x3FAF] =	sst s1  }
0xa: {  	[smem:$0x3FB0] =	sst s2  }
0xb: {  	[smem:$0x3FB1] =	sst s3  }
0xc: {  	[smem:$0x3FB2] =	sst s4  }
0xd: {  	[smem:$0x3FB3] =	sst s5  }
0xe: {  	[smem:$0x3FB4] =	sst s6  }
0xf: {  	[smem:$0x3FB5] =	sst s7  }
0x10: {  	[smem:$0x3FB6] =	sst s8  }
0x11: {  	[smem:$0x3FB7] =	sst s9;
	s0 =	simm.s32 @!p0 $0x0  }
0x12: {  	s1 =	sld [smem:$0x3F9D];
	s0 =	simm.s32 @p0 $0x1  }
0x13: {  	[smem:$0x3FB8] =	sst s0;
	s0 =	simm.s32 @!p1 $0x0  }
0x14: {  	s2 =	sld [smem:$0x3F9C];
	s0 =	simm.s32 @p1 $0x1  }
0x15: {  	[smem:$0x3FB9] =	sst s0;
	s0 =	simm.s32 @!p2 $0x0  }
0x16: {  	s3 =	sld [smem:$0x3FDB];
	s0 =	simm.s32 @p2 $0x1  }
0x17: {  	s4 =	simm.s32 $0x1BF5;
	[smem:$0x3FBB] =	sst s0  }
0x18: {  	s0 =	sld [smem:$0x3F9E];
	_ =	swait.ge [sflag:s4], $0x0  }
0x19: {  	s7 =	sld [smem:$0x3F9F]  }
0x1a: {  	s8 =	sadd.s32 $0xFFFFE003, lr  }
0x1b: {  	s9 =	sadd.s32 $0xFFFFFEF7, lr;
	s5 =	simm.s32 $0xFFFFFFFF;
	p2 =	slt.u32 s8, $0xFFFFF086  }
0x1c: {  	p1 =	slt.u32 s9, $0xF7A;
	s5 =	simm.s32 @!p2 $0x0  }
0x1d: {  	s5 =	simm.s32 @p1 $0x1;
	p0 =	seq.s32 s7, s2  }
0x1e: {  	s7 =	smul.u32 @!p0 $0xF7A, s2;
	p2 =	seq.s32 @!p0 s5, $0x0  }
0x1f: {  	s9 =	smul.u32 $0xF7A, s1;
	s8 =	simm.s32 @!p0 $0x1BF5;
	p2 =	por !p2, p0  }
0x20: {  	[sflag:s8] =	ssyncset.s32 @!p0 $0xFFFFF086;
	s6 =	sadd.s32 @!p0 s3, s7;
	s7 =	simm.s32 @!p0 $0x108  }
0x21: {  	s3 =	sadd.s32 s3, s9;
	s6 =	sadd.s32 @!p0 $0x88, s6;
	s7 =	simm.s32 @p2 $0x1082  }
0x22: {  	[simem:s7], [sflag:s8] =	dma.local @!p0 [hbm:s6], $0xF7A  }
0x23: {  	s9 =	sor.u32 $0xD0000000, s2;
	s6 =	simm.s32 $0x108;
	_ =	swait.ge @!p0 [sflag:s8], $0x0  }
0x24: {  	s3 =	sadd.s32 $0x88, s3;
	s6 =	simm.s32 @!p1 $0x1082;
	[sflag:s4] =	ssyncset.s32 $0xFFFFF086  }
0x25: {  	[simem:s6], [sflag:s4] =	dma.local [hbm:s3], $0xF7A  }
0x26: {  	[smem:$0x3F9F] =	sst s1;
	(tag) =	ssettag s2;
	_ =	strace s9  }
0x27: {  	s1 =	sld [smem:$0x3FAF]  }
0x28: {  	s2 =	sld [smem:$0x3FB0]  }
0x29: {  	s4 =	sld [smem:$0x3FB2]  }
0x2a: {  	p0 =	seq.s32 s5, $0x0;
	s5 =	sld [smem:$0x3FB3]  }
0x2b: {  	s6 =	sld [smem:$0x3FB4]  }
0x2c: {  	s7 =	sld [smem:$0x3FB5]  }
0x2d: {  	s3 =	simm.s32 $0x108;
	s8 =	sld [smem:$0x3FB6]  }
0x2e: {  	s3 =	simm.s32 @!p0 $0x1082;
	s9 =	sld [smem:$0x3FB7]  }
0x2f: {  	lr =	sadd.s32 s0, s3;
	s0 =	sld [smem:$0x3FAE]  }
0x30: {  	s3 =	sld [smem:$0x3FB1]  }
0x31: {  	[smem:$0x3FBA] =	sst s10  }
0x32: {  	s10 =	sld [smem:$0x3FB8];
	_ =	sdelay $0x3  }
0x33: {  	p0 =	seq.s32 s10, $0x1;
	s10 =	sld [smem:$0x3FBA];
	_ =	sdelay $0x3  }
0x34: {  	[smem:$0x3FBA] =	sst s10  }
0x35: {  	s10 =	sld [smem:$0x3FB9];
	_ =	sdelay $0x3  }
0x36: {  	p1 =	seq.s32 s10, $0x1;
	s10 =	sld [smem:$0x3FBA];
	_ =	sdelay $0x3  }
0x37: {  	[smem:$0x3FBA] =	sst s10  }
0x38: {  	s10 =	sld [smem:$0x3FBB]  }
0x39: {  	_ = 	snop;
	(pc) =	sbr.ind lr, $3  }
0x3a: {  	_ = 	snop  }
0x3b: {  	_ = 	snop  }
0x3c: {  	p2 =	seq.s32 s10, $0x1;
	s10 =	sld [smem:$0x3FBA]  }
0x3d: {  	_ =	shalt  }
0x3e: {  	_ =	shalt  }
0x3f: {  	_ =	shalt  }
0x40: {  	_ =	shalt  }
0x41: {  	_ =	shalt  }
0x42: {  	_ =	shalt  }
0x43: {  	_ =	shalt  }
0x44: {  	_ =	shalt  }
0x45: {  	_ =	shalt  }
0x46: {  	_ =	shalt  }
0x47: {  	_ =	shalt  }
0x48: {  	_ =	shalt  }
0x49: {  	_ =	shalt  }
0x4a: {  	_ =	shalt  }
0x4b: {  	_ =	shalt  }
0x4c: {  	_ =	shalt  }
0x4d: {  	_ =	shalt  }
0x4e: {  	_ =	shalt  }
0x4f: {  	_ =	shalt  }
0x50: {  	_ =	shalt  }
0x51: {  	_ =	shalt  }
0x52: {  	_ =	shalt  }
0x53: {  	_ =	shalt  }
0x54: {  	_ =	shalt  }
0x55: {  	_ =	shalt  }
0x56: {  	_ =	shalt  }
0x57: {  	_ =	shalt  }
0x58: {  	_ =	shalt  }
0x59: {  	_ =	shalt  }
0x5a: {  	_ =	shalt  }
0x5b: {  	_ =	shalt  }
0x5c: {  	_ =	shalt  }
0x5d: {  	_ =	shalt  }
0x5e: {  	_ =	shalt  }
0x5f: {  	_ =	shalt  }
0x60: {  	_ =	shalt  }
0x61: {  	_ =	shalt  }
0x62: {  	_ =	shalt  }
0x63: {  	_ =	shalt  }
0x64: {  	_ =	shalt  }
0x65: {  	_ =	shalt  }
0x66: {  	_ =	shalt  }
0x67: {  	_ =	shalt  }
0x68: {  	_ =	shalt  }
0x69: {  	_ =	shalt  }
0x6a: {  	_ =	shalt  }
0x6b: {  	_ =	shalt  }
0x6c: {  	_ =	shalt  }
0x6d: {  	_ =	shalt  }
0x6e: {  	_ =	shalt  }
0x6f: {  	_ =	shalt  }
0x70: {  	_ =	shalt  }
0x71: {  	_ =	shalt  }
0x72: {  	_ =	shalt  }
0x73: {  	_ =	shalt  }
0x74: {  	_ =	shalt  }
0x75: {  	_ =	shalt  }
0x76: {  	_ =	shalt  }
0x77: {  	_ =	shalt  }
0x78: {  	_ =	shalt  }
0x79: {  	_ =	shalt  }
0x7a: {  	_ =	shalt  }
0x7b: {  	_ =	shalt  }
0x7c: {  	_ =	shalt  }
0x7d: {  	_ =	shalt  }
0x7e: {  	_ =	shalt  }
0x7f: {  	_ =	shalt  }
0x80: {  	_ =	shalt  }
0x81: {  	_ =	shalt  }
0x82: {  	_ =	shalt  }
0x83: {  	_ =	shalt  }
0x84: {  	_ =	shalt  }
0x85: {  	_ =	shalt  }
0x86: {  	_ =	shalt  }
0x87: {  	_ =	shalt  }
.Lfunc_end0:
.L_simem_size_0:
called_computation_lowered:
.L_overlay_start_0:
0x88: {  	s2 =	sld [smem:$0x3FD9]  }
0x89: {  	s3 =	sld [smem:$0x3FFE];
	_ =	sdelay $0x1  }
0x8a: {  	s1 =	srdreg.scid  }
0x8b: {  	s0 =	sand.u32 $0x1, s1  }
0x8c: {  	s17 =	sshll.u32 s0, $0xA;
	s2 =	sadd.s32 s3, s2  }
0x8d: {  	s2 =	sadd.s32 s2, s17  }
0x8e: {  	[smem:$0x3FC6] =	sst s2  }
0x8f: {  	_ = 	snop  }
0x90: {  	s2 =	sld [smem:$0x3FC8]  }
0x91: {  	s18 =	sld [smem:$0x3FD0];
	(tm) =	ssettm $0x1  }
0x92: {  	s4 =	sld [smem:$0x3FFB];
	_ =	sdelay $0x3  }
0x93: {  	_ =	strace s4  }
0x94: {  	s4 =	sld [smem:$0x3FFC];
	_ =	sdelay $0x3  }
0x95: {  	_ =	strace s4  }
0x96: {  	s4 =	sld [smem:$0x3FFD];
	_ =	sdelay $0x3  }
0x97: {  	_ =	strace s4  }
0x98: {  	_ =	strace $0x8FFFFFFF  }
0x99: {  	s19 =	sld [smem:$0x3FDB];
	_ =	sdelay $0x1  }
0x9a: {  	s5 =	simm.s32 $_scs_section_size  }
0x9b: {  	s6 =	simm.s32 $_size__tile_overlayer_lowered;
	s7 =	simm.s32 $_tile_overlayer_lowered  }
0x9c: {  	s22 =	simm.s32 $0x1BFF;
	s21 =	sshll.u32 s7, $0x1;
	s4 =	sadd.s32 s5, s19  }
0x9d: {  	s8 =	simm.s32 $0x0;
	s20 =	sshll.u32 s6, $0x1;
	s6 =	sadd.s32 s21, s4  }
0x9e: {  	[timem:s8], [sflag:s22] =	dma.local [hbm:s6], s20  }
0x9f: {  	_ =	swait.ge [sflag:s22], s20  }
0xa0: {  	s5 =	ssub.s32 $0x0, s20;
	[sflag:s22] =	ssyncset.done $0x0  }
0xa1: {  	[sflag:s22] =	ssyncadd.s32 s5;
	_ =	sdelay $0x1  }
0xa2: {  	s23 =	simm.s32 $0x1B8B  }
0xa3: {  	_ =	swait.ge [sflag:s23], $0x1  }
0xa4: {  	[sflag:s23] =	ssyncset.done $0x0  }
0xa5: {  	s25 =	simm.s32 $0x1B8E;
	s24 =	sld [smem:$0x3FFE];
	[sflag:s23] =	ssyncadd.s32 $0xFFFFFFFF  }
0xa6: {  	s26 =	simm.s32 $execute0_lowered;
	[smem:$0x3FD2] =	sst s25  }
0xa7: {  	s6 =	sshll.u32 s26, $0x1;
	_ =	strace $0x80000046;
	[dreg:$0x1] =	wrdreg $0xFFFFFFFF  }
0xa8: {  	s28 =	simm.s32 $_size_execute0_lowered;
	s4 =	sadd.s32 s4, s6;
	[dreg:$0x0] =	wrdreg $0x0  }
0xa9: {  	s6 =	sshll.u32 s28, $0x1;
	[dreg:$0x2] =	wrdreg s4  }
0xaa: {  	[dreg:$0x3] =	wrdreg s6  }
0xab: {  	[dreg:$0x4] =	wrdreg $0xC0  }
0xac: {  	_ =	task [dreg:s8], $0x5FFFF  }
0xad: {  	[dreg:$0x1] =	wrdreg $0xFFFFFFFF  }
0xae: {  	[dreg:$0x0] =	wrdreg $0x60  }
0xaf: {  	[dreg:$0x2] =	wrdreg s24  }
0xb0: {  	[dreg:$0x3] =	wrdreg s2  }
0xb1: {  	[dreg:$0x4] =	wrdreg s18  }
0xb2: {  	[dreg:$0x5] =	wrdreg $0x9  }
0xb3: {  	_ =	task.clear_ibuf [dreg:s8], $0x6FFFF;
	_ =	strace $0x90000046  }
0xb4: {  	s29 =	simm.s32 $0x9;
	_ =	strace $0x80000048  }
0xb5: {  	_ =	swait.ge [sflag:s29], $0x1  }
0xb6: {  	[sflag:s29] =	ssyncadd.s32 $0xFFFFFFFF  }
0xb7: {  	_ =	strace $0x90000048  }
0xb8: {  	_ =	sfence  }
0xb9: {  	s30 =	sld [smem:$0x0];
	_ =	sdelay $0x2  }
0xba: {  	s31 =	sshll.u32 s1, $0xD;
	s1 =	sshrl.u32 s1, $0x2  }
0xbb: {  	s3 =	sand.u32 $0x4000, s31;
	s1 =	sadd.s32 s1, s30  }
0xbc: {  	s0 =	sor.u32 s3, s0;
	s1 =	sshll.u32 s1, $0x11  }
0xbd: {  	s0 =	sor.u32 s1, s0  }
0xbe: {  	s0 =	sadd.s32 $0x8F2B, s0  }
0xbf: {  	[sflag:s0] =	ssyncadd.remote.s32 $0x1  }
0xc0: {  	_ =	sfence.sel $0xFFFF  }
0xc1: {  	[dreg:$0x0] =	wrdreg $0xFFFFFFFF;
	(pc) =	sbr.abs _section_cstart, $3  }
0xc2: {  	[dreg:$0x1] =	wrdreg $0xFFFFFFFF  }
0xc3: {  	_ =	task.clear_ibuf [dreg:s8], $0x2FFFF;
	_ =	strace $0x9FFFFFFF  }
0xc4: {  	(tm) =	ssettm $0x7FFFFFFF  }
0xc5: {  	_ =	shalt  }
tec
execute0_lowered:
.L_overlay_start_1:
0x0: {  	(tag) =	ssettag $0x1  }
0x1: {  	s0 =	rddreg [dreg:$0x0]  }
0x2: {  	s2 =	rddreg [dreg:$0x1];
	s1 =	srdreg.scid  }
0x3: {  	s14 =	stileid.u32;
	s3 =	rddreg [dreg:$0x2]  }
0x4: {  	s4 =	simm.s32 $0x0;
	s18 =	simm.s32 $0x2000;
	s15 =	simm.s32 $0x400  }
0x5: {  	s16 =	simm.s32 $0xA000;
	s28 =	simm.s32 $0xC000;
	s29 =	simm.s32 $0xD000  }
0x6: {  	s30 =	simm.s32 $0x2;
	s31 =	simm.s32 $0x3;
	s1 =	sand.u32 $0x1, s1  }
0x7: {  	s5 =	sshll.u32 s14, $0x1;
	[smem:$0x7FF] =	sst s4;
	s8 =	sadd.s32 $0xC00, s2  }
0x8: {  	s9 =	sadd.s32 $0x1000, s2;
	s10 =	sadd.s32 $0x1400, s2;
	s11 =	sadd.s32 $0x1800, s2  }
0x9: {  	s12 =	sadd.s32 $0x1C00, s2;
	s23 =	sshll.u32 s14, $0x12;
	s25 =	sshll.u32 s14, $0x15  }
0xa: {  	s14 =	simm.s32 $0x100;
	s5 =	sor.u32 s1, s5;
	s7 =	ssub.s32 $0x2, s1  }
0xb: {  	_ =	strace $0x80000047;
	s24 =	sshll.u32 s1, $0x11;
	s1 =	sshll.u32 s1, $0x14  }
0xc: {  	s6 =	sshll.u32 s5, $0xA;
	s20 =	sshrl.u32 s7, $0x1;
	s21 =	sshll.u32 s5, $0x11  }
0xd: {  	s26 =	sor.u32 s1, s25;
	s1 =	simm.s32 $0x0;
	s0 =	sadd.s32 s6, s0  }
0xe: {  	s13 =	ssub.s32 s7, s20;
	s6 =	sadd.s32 $0x400, s2;
	s7 =	sadd.s32 $0x800, s2  }
0xf: {  	[dreg:$0x8] =	wrdreg s26;
	s0 =	sadd.s32 $0x400, s0;
	s22 =	smax.u32 s13, $0x1  }
.Ltmp0:
0x10: {  	[dreg:$0x4] =	wrdreg s0;
	s0 =	sadd.s32 s21, s3;
	(pc) =	sbr.rel .LBB2_1-.Ltmp0, $4  }
0x11: {  	s26 =	simm.s32 $0x6000;
	[dreg:$0x6] =	wrdreg s22;
	s0 =	sadd.s32 $0x1E060, s0  }
0x12: {  	v0 =	vlaneseq.u32;
	s13 =	simm.s32 $0x1;
	[dreg:$0x5] =	wrdreg s0;
	s0 =	sor.u32 s24, s23  }
0x13: {  	v1 =	vshrl.u32 v0, $0x1;
	s21 =	simm.s32 $0xC800;
	s22 =	simm.s32 $0xD800;
	s0 =	sor.u32 $0x800, s0  }
0x14: {  	vm0 =	vmmov $0xffff;
	v0 =	vand.u32 $0x1, v0;
	v1 =	vmul.u32 $0x8, v1;
	s23 =	simm.s32 $0x4;
	s24 =	simm.s32 $0x5;
	[dreg:$0x7] =	wrdreg s0  }
.LBB2_4:
0x15: {  	_ =	swait.ge [sflag:s13], $0x4000  }
0x16: {  	[sflag:s13] =	ssyncset.done $0x0  }
0x17: {  	s20 =	simm.s32 $0x6;
	s0 =	rddreg [dreg:$0x5];
	[sflag:s13] =	ssyncadd.s32 $0xFFFFC000  }
0x18: {  	[hbm4b:s0+s14] =	stream.strided.scatter [tilespmem:s18], [sflag:$0x4], $0x4000, s15, s14, $0x38;
	[tilespmem:$0xE000] =	vst v63  }
0x19: {  	_ =	swait.ge [sflag:s20], $0x4000  }
0x1a: {  	[sflag:s20] =	ssyncset.done $0x0  }
0x1b: {  	[sflag:s20] =	ssyncadd.s32 $0xFFFFC000  }
0x1c: {  	_ =	swait.ge [sflag:s23], $0x4000  }
0x1d: {  	s1 =	rddreg [dreg:$0x9]  }
0x1e: {  	s25 =	rddreg [dreg:$0x6];
	s1 =	sadd.s32 $0x1, s1  }
0x1f: {  	p0 =	sne.s32 s1, s25  }
.Ltmp1:
0x20: {  	_ = 	snop;
	(pc) =	sbr.rel @!p0 .LBB2_5-.Ltmp1, $3  }
0x21: {  	_ =	sdelay $0x1  }
0x22: {  	[sflag:s23] =	ssyncset.done $0x0  }
0x23: {  	[sflag:s23] =	ssyncadd.s32 $0xFFFFC000  }
.LBB2_1:
0x24: {  	[dreg:$0x9] =	wrdreg s1  }
0x25: {  	s0 =	rddreg [dreg:$0x4];
	s19 =	simm.s32 $0x7  }
0x26: {  	[tilespmem:s4], [sflag:$0x7] =	stream.linear.gather [hbm4b:s0+s4], $0x2000, $0x38;
	[tilespmem:$0xE000] =	vst v63  }
0x27: {  	_ =	swait.ge [sflag:s19], $0x2000  }
0x28: {  	[sflag:s19] =	ssyncset.done $0x0  }
0x29: {  	[sflag:s19] =	ssyncadd.s32 $0xFFFFE000  }
0x2a: {  	v2 =	vld.msk [tilespmem:$0x0], $0x3;
	_ =	sdelay $0x4  }
0x2b: {  	v3 =	vshll.u32 v2, $0x6  }
0x2c: {  	v2 =	vand.u32 $0x7, v2;
	v3 =	vand.u32 $0xFFFFFE00, v3  }
0x2d: {  	v2 =	vor.u32 v2, v3  }
0x2e: {  	v2 =	vperm.xlane v2, v0;
	_ =	sdelay $0x1  }
0x2f: {  	v2 =	vadd.s32 v1, v2;
	_ =	sdelay $0x4  }
0x30: {  	[tilespmem:s18], [sflag:$0x1] =	stream.indirect_vreg.gather [hbm4b:s2+s4], $0x80, v2, vm0, $0xb8;
	[tilespmem:$0xE000] =	vst v63  }
0x31: {  	s20 =	simm.s32 $0x2800  }
0x32: {  	[tilespmem:s20], [sflag:$0x1] =	stream.indirect_vreg.gather [hbm4b:s6+s4], $0x80, v2, vm0, $0xb8;
	[tilespmem:$0xE000] =	vst v63  }
0x33: {  	s25 =	simm.s32 $0x3000  }
0x34: {  	[tilespmem:s25], [sflag:$0x1] =	stream.indirect_vreg.gather [hbm4b:s7+s4], $0x80, v2, vm0, $0xb8;
	[tilespmem:$0xE000] =	vst v63  }
0x35: {  	s1 =	simm.s32 $0x3800  }
0x36: {  	[tilespmem:s1], [sflag:$0x1] =	stream.indirect_vreg.gather [hbm4b:s8+s4], $0x80, v2, vm0, $0xb8;
	[tilespmem:$0xE000] =	vst v63  }
0x37: {  	s5 =	simm.s32 $0x4000  }
0x38: {  	[tilespmem:s5], [sflag:$0x1] =	stream.indirect_vreg.gather [hbm4b:s9+s4], $0x80, v2, vm0, $0xb8;
	[tilespmem:$0xE000] =	vst v63  }
0x39: {  	s17 =	simm.s32 $0x4800  }
0x3a: {  	[tilespmem:s17], [sflag:$0x1] =	stream.indirect_vreg.gather [hbm4b:s10+s4], $0x80, v2, vm0, $0xb8;
	[tilespmem:$0xE000] =	vst v63  }
0x3b: {  	s19 =	simm.s32 $0x5000  }
0x3c: {  	[tilespmem:s19], [sflag:$0x1] =	stream.indirect_vreg.gather [hbm4b:s11+s4], $0x80, v2, vm0, $0xb8;
	[tilespmem:$0xE000] =	vst v63  }
0x3d: {  	s20 =	simm.s32 $0x5800  }
0x3e: {  	[tilespmem:s20], [sflag:$0x1] =	stream.indirect_vreg.gather [hbm4b:s12+s4], $0x80, v2, vm0, $0xb8;
	[tilespmem:$0xE000] =	vst v63  }
0x3f: {  	v2 =	vld.msk [tilespmem:$0x80], $0x3;
	_ =	sdelay $0x4  }
0x40: {  	v3 =	vshll.u32 v2, $0x6  }
0x41: {  	v2 =	vand.u32 $0x7, v2;
	v3 =	vand.u32 $0xFFFFFE00, v3  }
0x42: {  	v2 =	vor.u32 v2, v3  }
0x43: {  	v2 =	vperm.xlane v2, v0;
	_ =	sdelay $0x1  }
0x44: {  	v2 =	vadd.s32 v1, v2;
	_ =	sdelay $0x4  }
0x45: {  	[tilespmem:s26], [sflag:$0x2] =	stream.indirect_vreg.gather [hbm4b:s2+s4], $0x80, v2, vm0, $0xb8;
	[tilespmem:$0xE000] =	vst v63  }
0x46: {  	s25 =	simm.s32 $0x6800  }
0x47: {  	[tilespmem:s25], [sflag:$0x2] =	stream.indirect_vreg.gather [hbm4b:s6+s4], $0x80, v2, vm0, $0xb8;
	[tilespmem:$0xE000] =	vst v63  }
0x48: {  	s1 =	simm.s32 $0x7000  }
0x49: {  	[tilespmem:s1], [sflag:$0x2] =	stream.indirect_vreg.gather [hbm4b:s7+s4], $0x80, v2, vm0, $0xb8;
	[tilespmem:$0xE000] =	vst v63  }
0x4a: {  	s5 =	simm.s32 $0x7800  }
0x4b: {  	[tilespmem:s5], [sflag:$0x2] =	stream.indirect_vreg.gather [hbm4b:s8+s4], $0x80, v2, vm0, $0xb8;
	[tilespmem:$0xE000] =	vst v63  }
0x4c: {  	s17 =	simm.s32 $0x8000  }
0x4d: {  	[tilespmem:s17], [sflag:$0x2] =	stream.indirect_vreg.gather [hbm4b:s9+s4], $0x80, v2, vm0, $0xb8;
	[tilespmem:$0xE000] =	vst v63  }
0x4e: {  	s19 =	simm.s32 $0x8800  }
0x4f: {  	[tilespmem:s19], [sflag:$0x2] =	stream.indirect_vreg.gather [hbm4b:s10+s4], $0x80, v2, vm0, $0xb8;
	[tilespmem:$0xE000] =	vst v63  }
0x50: {  	s20 =	simm.s32 $0x9000  }
0x51: {  	[tilespmem:s20], [sflag:$0x2] =	stream.indirect_vreg.gather [hbm4b:s11+s4], $0x80, v2, vm0, $0xb8;
	[tilespmem:$0xE000] =	vst v63  }
0x52: {  	s0 =	rddreg [dreg:$0x8];
	s25 =	simm.s32 $0x9800;
	s1 =	simm.s32 $0x40  }
0x53: {  	[tilespmem:s25], [sflag:$0x2] =	stream.indirect_vreg.gather [hbm4b:s12+s4], $0x80, v2, vm0, $0xb8;
	[tilespmem:$0xE000] =	vst v63  }
0x54: {  	s5 =	rddreg [dreg:$0x7];
	s17 =	simm.s32 $0x0;
	s25 =	simm.s32 $0x200  }
.LBB2_2:
0x55: {  	s19 =	sand.u32 $0x3FF0000, s0;
	s20 =	sand.u32 $0x300, s17  }
0x56: {  	_ =	swait.ge [sflag:s13], $0x4000;
	s19 =	sor.u32 s20, s19  }
0x57: {  	[sflag:s13] =	ssyncset.done $0x0;
	s19 =	sshrl.u32 s19, $0x3  }
0x58: {  	p0 =	seq.s32 s1, $0x40;
	[sflag:s13] =	ssyncadd.s32 $0xFFFFC000;
	s19 =	sadd.s32 s3, s19  }
0x59: {  	[hbm4b:s19+s14] =	stream.strided.scatter [tilespmem:s18], [sflag:$0x4], $0x4000, s15, s14, $0x38;
	[tilespmem:$0xE000] =	vst v63  }
0x5a: {  	s19 =	simm.s32 @!p0 $0x6  }
0x5b: {  	_ =	swait.ge @!p0 [sflag:s19], $0x4000  }
0x5c: {  	[sflag:s19] =	ssyncset.done @!p0 $0x0  }
0x5d: {  	[sflag:s19] =	ssyncadd.s32 @!p0 $0xFFFFC000  }
0x5e: {  	v2 =	vld.msk [tilespmem:s25+$0xFFFFFF00], $0x3;
	_ =	sdelay $0x4  }
0x5f: {  	v3 =	vshll.u32 v2, $0x6  }
0x60: {  	v2 =	vand.u32 $0x7, v2;
	v3 =	vand.u32 $0xFFFFFE00, v3  }
0x61: {  	v2 =	vor.u32 v2, v3  }
0x62: {  	v2 =	vperm.xlane v2, v0;
	_ =	sdelay $0x1  }
0x63: {  	v2 =	vadd.s32 v1, v2;
	_ =	sdelay $0x4  }
0x64: {  	[tilespmem:s16], [sflag:$0x3] =	stream.indirect_vreg.gather [hbm4b:s2+s4], $0x80, v2, vm0, $0xb8;
	[tilespmem:$0xE000] =	vst v63  }
0x65: {  	s20 =	simm.s32 $0xA800  }
0x66: {  	[tilespmem:s20], [sflag:$0x3] =	stream.indirect_vreg.gather [hbm4b:s6+s4], $0x80, v2, vm0, $0xb8;
	[tilespmem:$0xE000] =	vst v63  }
0x67: {  	s20 =	simm.s32 $0xB000  }
0x68: {  	[tilespmem:s20], [sflag:$0x3] =	stream.indirect_vreg.gather [hbm4b:s7+s4], $0x80, v2, vm0, $0xb8;
	[tilespmem:$0xE000] =	vst v63  }
0x69: {  	s20 =	simm.s32 $0xB800  }
0x6a: {  	[tilespmem:s20], [sflag:$0x3] =	stream.indirect_vreg.gather [hbm4b:s8+s4], $0x80, v2, vm0, $0xb8;
	[tilespmem:$0xE000] =	vst v63  }
0x6b: {  	_ = 	snop  }
0x6c: {  	[tilespmem:s28], [sflag:$0x3] =	stream.indirect_vreg.gather [hbm4b:s9+s4], $0x80, v2, vm0, $0xb8;
	[tilespmem:$0xE000] =	vst v63  }
0x6d: {  	_ = 	snop  }
0x6e: {  	[tilespmem:s21], [sflag:$0x3] =	stream.indirect_vreg.gather [hbm4b:s10+s4], $0x80, v2, vm0, $0xb8;
	[tilespmem:$0xE000] =	vst v63  }
0x6f: {  	_ = 	snop  }
0x70: {  	[tilespmem:s29], [sflag:$0x3] =	stream.indirect_vreg.gather [hbm4b:s11+s4], $0x80, v2, vm0, $0xb8;
	[tilespmem:$0xE000] =	vst v63  }
0x71: {  	s20 =	sadd.s32 $0xFFFFFFE0, s1  }
0x72: {  	[tilespmem:s22], [sflag:$0x3] =	stream.indirect_vreg.gather [hbm4b:s12+s4], $0x80, v2, vm0, $0xb8;
	[tilespmem:$0xE000] =	vst v63  }
0x73: {  	s19 =	sand.u32 $0x60, s20;
	_ =	swait.ge [sflag:s30], $0x4000  }
0x74: {  	s20 =	sand.u32 $0x7FE000, s5;
	s19 =	sadd.s32 s3, s19;
	[sflag:s30] =	ssyncset.done $0x0  }
0x75: {  	s19 =	sadd.s32 s20, s19;
	[sflag:s30] =	ssyncadd.s32 $0xFFFFC000  }
0x76: {  	[hbm4b:s19+s14] =	stream.strided.scatter [tilespmem:s26], [sflag:$0x5], $0x4000, s15, s14, $0x38;
	[tilespmem:$0xE000] =	vst v63  }
0x77: {  	_ =	swait.ge [sflag:s23], $0x4000  }
0x78: {  	[sflag:s23] =	ssyncset.done $0x0  }
0x79: {  	[sflag:s23] =	ssyncadd.s32 $0xFFFFC000  }
0x7a: {  	v2 =	vld.msk [tilespmem:s25+$0xFFFFFF80], $0x3;
	_ =	sdelay $0x4  }
0x7b: {  	v3 =	vshll.u32 v2, $0x6  }
0x7c: {  	v2 =	vand.u32 $0x7, v2;
	v3 =	vand.u32 $0xFFFFFE00, v3  }
0x7d: {  	v2 =	vor.u32 v2, v3  }
0x7e: {  	v2 =	vperm.xlane v2, v0;
	_ =	sdelay $0x1  }
0x7f: {  	v2 =	vadd.s32 v1, v2;
	_ =	sdelay $0x4  }
0x80: {  	[tilespmem:s18], [sflag:$0x1] =	stream.indirect_vreg.gather [hbm4b:s2+s4], $0x80, v2, vm0, $0xb8;
	[tilespmem:$0xE000] =	vst v63  }
0x81: {  	s20 =	simm.s32 $0x2800  }
0x82: {  	[tilespmem:s20], [sflag:$0x1] =	stream.indirect_vreg.gather [hbm4b:s6+s4], $0x80, v2, vm0, $0xb8;
	[tilespmem:$0xE000] =	vst v63  }
0x83: {  	s20 =	simm.s32 $0x3000  }
0x84: {  	[tilespmem:s20], [sflag:$0x1] =	stream.indirect_vreg.gather [hbm4b:s7+s4], $0x80, v2, vm0, $0xb8;
	[tilespmem:$0xE000] =	vst v63  }
0x85: {  	s20 =	simm.s32 $0x3800  }
0x86: {  	[tilespmem:s20], [sflag:$0x1] =	stream.indirect_vreg.gather [hbm4b:s8+s4], $0x80, v2, vm0, $0xb8;
	[tilespmem:$0xE000] =	vst v63  }
0x87: {  	s20 =	simm.s32 $0x4000  }
0x88: {  	[tilespmem:s20], [sflag:$0x1] =	stream.indirect_vreg.gather [hbm4b:s9+s4], $0x80, v2, vm0, $0xb8;
	[tilespmem:$0xE000] =	vst v63  }
0x89: {  	s20 =	simm.s32 $0x4800  }
0x8a: {  	[tilespmem:s20], [sflag:$0x1] =	stream.indirect_vreg.gather [hbm4b:s10+s4], $0x80, v2, vm0, $0xb8;
	[tilespmem:$0xE000] =	vst v63  }
0x8b: {  	s20 =	simm.s32 $0x5000  }
0x8c: {  	[tilespmem:s20], [sflag:$0x1] =	stream.indirect_vreg.gather [hbm4b:s11+s4], $0x80, v2, vm0, $0xb8;
	[tilespmem:$0xE000] =	vst v63  }
0x8d: {  	p0 =	seq.s32 s1, $0x7C0;
	s20 =	simm.s32 $0x5800  }
0x8e: {  	[tilespmem:s20], [sflag:$0x1] =	stream.indirect_vreg.gather [hbm4b:s12+s4], $0x80, v2, vm0, $0xb8;
	[tilespmem:$0xE000] =	vst v63  }
0x8f: {  	s19 =	sadd.s32 $0x800, s5;
	s20 =	sand.u32 $0x60, s1;
	_ =	swait.ge [sflag:s31], $0x4000  }
0x90: {  	s19 =	sand.u32 $0x7FE000, s19;
	s20 =	sadd.s32 s3, s20;
	[sflag:s31] =	ssyncset.done $0x0  }
.Ltmp2:
0x91: {  	s19 =	sadd.s32 s19, s20;
	[sflag:s31] =	ssyncadd.s32 $0xFFFFC000;
	(pc) =	sbr.rel @p0 .LBB2_4-.Ltmp2, $4  }
0x92: {  	[hbm4b:s19+s14] =	stream.strided.scatter [tilespmem:s16], [sflag:$0x6], $0x4000, s15, s14, $0x38;
	[tilespmem:$0xE000] =	vst v63  }
0x93: {  	_ =	swait.ge [sflag:s24], $0x4000  }
0x94: {  	[sflag:s24] =	ssyncset.done $0x0  }
0x95: {  	[sflag:s24] =	ssyncadd.s32 $0xFFFFC000  }
0x96: {  	v2 =	vld.msk [tilespmem:s25+$0x0], $0x3;
	_ =	sdelay $0x4  }
0x97: {  	v3 =	vshll.u32 v2, $0x6  }
0x98: {  	v2 =	vand.u32 $0x7, v2;
	v3 =	vand.u32 $0xFFFFFE00, v3  }
0x99: {  	v2 =	vor.u32 v2, v3  }
0x9a: {  	v2 =	vperm.xlane v2, v0;
	_ =	sdelay $0x1  }
0x9b: {  	v2 =	vadd.s32 v1, v2;
	_ =	sdelay $0x4  }
0x9c: {  	[tilespmem:s26], [sflag:$0x2] =	stream.indirect_vreg.gather [hbm4b:s2+s4], $0x80, v2, vm0, $0xb8;
	[tilespmem:$0xE000] =	vst v63  }
0x9d: {  	s19 =	simm.s32 $0x6800  }
0x9e: {  	[tilespmem:s19], [sflag:$0x2] =	stream.indirect_vreg.gather [hbm4b:s6+s4], $0x80, v2, vm0, $0xb8;
	[tilespmem:$0xE000] =	vst v63  }
0x9f: {  	s20 =	simm.s32 $0x7000  }
0xa0: {  	[tilespmem:s20], [sflag:$0x2] =	stream.indirect_vreg.gather [hbm4b:s7+s4], $0x80, v2, vm0, $0xb8;
	[tilespmem:$0xE000] =	vst v63  }
0xa1: {  	s20 =	simm.s32 $0x7800  }
0xa2: {  	[tilespmem:s20], [sflag:$0x2] =	stream.indirect_vreg.gather [hbm4b:s8+s4], $0x80, v2, vm0, $0xb8;
	[tilespmem:$0xE000] =	vst v63  }
0xa3: {  	s20 =	simm.s32 $0x8000  }
0xa4: {  	[tilespmem:s20], [sflag:$0x2] =	stream.indirect_vreg.gather [hbm4b:s9+s4], $0x80, v2, vm0, $0xb8;
	[tilespmem:$0xE000] =	vst v63  }
0xa5: {  	s20 =	simm.s32 $0x8800  }
0xa6: {  	[tilespmem:s20], [sflag:$0x2] =	stream.indirect_vreg.gather [hbm4b:s10+s4], $0x80, v2, vm0, $0xb8;
	[tilespmem:$0xE000] =	vst v63  }
.Ltmp3:
0xa7: {  	s17 =	sadd.s32 $0x300, s17;
	(pc) =	sbr.rel .LBB2_2-.Ltmp3, $4  }
0xa8: {  	s5 =	sadd.s32 $0x1800, s5;
	s1 =	sadd.s32 $0x60, s1;
	s20 =	simm.s32 $0x9000  }
0xa9: {  	[tilespmem:s20], [sflag:$0x2] =	stream.indirect_vreg.gather [hbm4b:s11+s4], $0x80, v2, vm0, $0xb8;
	[tilespmem:$0xE000] =	vst v63  }
0xaa: {  	s0 =	sadd.s32 $0xC000, s0;
	s25 =	sadd.s32 $0x180, s25;
	s20 =	simm.s32 $0x9800  }
0xab: {  	[tilespmem:s20], [sflag:$0x2] =	stream.indirect_vreg.gather [hbm4b:s12+s4], $0x80, v2, vm0, $0xb8;
	[tilespmem:$0xE000] =	vst v63  }
.LBB2_5:
0xac: {  	_ =	sfence.sel $0x180000  }
0xad: {  	[bflag:$0x0] =	sbarrier.arrive $0xFFFF  }
0xae: {  	_ =	strace $0x90000047  }
0xaf: {  	s0 =	stileid.u32;
	[bflag:$0x2] =	sbarrier.arrive $0xFFFF  }
0xb0: {  	p0 =	sne.s32 s0, $0x0;
	s0 =	rddreg [dreg:$0x3]  }
0xb1: {  	s0 =	sadd.s32 @!p0 $0x100000, s0  }
0xb2: {  	[sflag:s0] =	ssyncadd.tile.s32 @!p0 $0x1;
	_ =	shalt  }
.Lfunc_end2:
_tile_overlayer_lowered:
.L_overlay_start_2:
0xb3: {  	(tag) =	ssettag $0x2  }
0xb4: {  	s0 =	rddreg [dreg:$0x0];
	s2 =	stileid.u32  }
0xb5: {  	s1 =	rddreg [dreg:$0x1];
	p0 =	sne.s32 s2, $0x0  }
0xb6: {  	s3 =	rddreg [dreg:$0x2];
	[bflag:$0x3] =	sbarrier.arrive $0xFFFF;
	s2 =	simm.s32 @!p0 $0x1C07  }
0xb7: {  	[timem:s3], [sflag:s2] =	dma.local @!p0 [hbm:s0], s1  }
0xb8: {  	s0 =	simm.s32 @!p0 $0x7  }
0xb9: {  	_ =	swait.ge @!p0 [sflag:s0], s1  }
0xba: {  	s1 =	ssub.s32 @!p0 $0x0, s1;
	[sflag:s0] =	ssyncset.done @!p0 $0x0  }
0xbb: {  	[sflag:s0] =	ssyncadd.s32 @!p0 s1  }
0xbc: {  	[bflag:$0x3] =	sbarrier.arrive $0xFFFF  }
0xbd: {  	_ =	shalt  }

</sc_bundles>
